<compile_context>
chip_gen: v7x
topology: tpu7x:2x2x1
jax: 0.10.2.dev20260603
libtpu: 0.0.44.dev20260713+nightly
codegen_flags: <defaults>
</compile_context>

<pallas_src>
import functools

import jax
import jax.numpy as jnp
from jax import lax
from jax.experimental import pallas as pl
from jax.experimental.pallas import tpu as pltpu
from jax.experimental.pallas import tpu_sc as plsc

N = 4096
M = 4096
E = 64
BB = 256
_C = M // 128
_XR = BB // 2

_SC_INFO = plsc.get_sparse_core_info()
_NC = _SC_INFO.num_cores
_NS = _SC_INFO.num_subcores
_NW = _NC * _NS


def _make_sc_gather(total):
    per_w = total // _NW
    mesh = plsc.VectorSubcoreMesh(core_axis_name="c", subcore_axis_name="s")

    @functools.partial(
        pl.kernel,
        mesh=mesh,
        out_type=jax.ShapeDtypeStruct((total,), jnp.float32),
        scratch_types=[
            pltpu.VMEM((per_w,), jnp.int32),
            pltpu.VMEM((per_w,), jnp.float32),
            pltpu.SemaphoreType.DMA,
        ],
    )
    def gather_k(xflat_hbm, idx_hbm, out_hbm, idx_v, val_v, sem):
        wid = lax.axis_index("s") * _NC + lax.axis_index("c")
        base = pl.multiple_of(wid * per_w, 8)
        pltpu.sync_copy(idx_hbm.at[pl.ds(base, per_w)], idx_v)
        pltpu.async_copy(xflat_hbm.at[idx_v], val_v, sem).wait()
        pltpu.sync_copy(val_v, out_hbm.at[pl.ds(base, per_w)])

    return gather_k


def _tile_body(dstdup_ref, dstcol_ref, valscol_ref, bias_ref, xg_ref, out_ref):
    dstdup = dstdup_ref[...]
    dstcol = dstcol_ref[...]
    valscol = valscol_ref[...]

    j_iota = jax.lax.broadcasted_iota(jnp.int32, (2 * E, 128), 1)
    s_mat = jnp.where(j_iota == dstcol % 128, valscol, 0.0)

    q_iota = jax.lax.broadcasted_iota(jnp.int32, (2 * _C, 2 * E), 0)
    f_iota = jax.lax.broadcasted_iota(jnp.int32, (2 * _C, 2 * E), 1)
    bigmask = (
        (f_iota // E == q_iota // _C) & (dstdup // 128 == q_iota % _C)
    ).astype(jnp.float32)

    xg2 = xg_ref[...]
    xg4 = (xg2[:, None, :] * bigmask[None, :, :]).reshape(_XR * 2 * _C, 2 * E)
    part = jax.lax.dot_general(
        xg4, s_mat,
        dimension_numbers=(((1,), (0,)), ((), ())),
        preferred_element_type=jnp.float32,
    )

    bias2 = jnp.concatenate([bias_ref[...], bias_ref[...]], axis=0)
    bias_blk = jnp.broadcast_to(bias2[None], (_XR, 2 * _C, 128))
    out_ref[...] = part + bias_blk.reshape(BB * _C, 128)


@jax.jit
def kernel(x, indices, values, bias):
    b = x.shape[0]
    xflat = x.reshape(b * N)
    nr = b * E // 128
    rr = jax.lax.broadcasted_iota(jnp.int32, (nr, 128), 0)
    half = jax.lax.broadcasted_iota(jnp.int32, (nr, 128), 1) // E
    src2 = jnp.tile(indices[0], 2)[None, :]
    flat_idx = ((2 * rr + half) * N + src2).reshape(b * E)
    xg2d = _make_sc_gather(b * E)(xflat, flat_idx).reshape(nr, 128)

    dst2 = jnp.tile(indices[1], 2)
    dstdup = dst2.reshape(1, 2 * E)
    dstcol = dst2.reshape(2 * E, 1)
    valscol = jnp.tile(values, 2).reshape(2 * E, 1)
    bias32 = bias.reshape(_C, 128)
    out = pl.pallas_call(
        _tile_body,
        grid=(b // BB,),
        in_specs=[
            pl.BlockSpec((1, 2 * E), lambda i: (0, 0)),
            pl.BlockSpec((2 * E, 1), lambda i: (0, 0)),
            pl.BlockSpec((2 * E, 1), lambda i: (0, 0)),
            pl.BlockSpec((_C, 128), lambda i: (0, 0)),
            pl.BlockSpec((_XR, 128), lambda i: (i, 0)),
        ],
        out_specs=pl.BlockSpec((BB * _C, 128), lambda i: (i, 0)),
        out_shape=jax.ShapeDtypeStruct((b * _C, 128), jnp.float32),
    )(dstdup, dstcol, valscol, bias32, xg2d)
    return out.reshape(b, M, 1)

# --- scband reference (transcript-rebuilt; emitter-appended) ---
"""Pipeline reference for scband-sparse-linear2-26018911879781 (READ-ONLY COPY).

The authoritative reference and input builder live on the scoring server;
editing this copy changes nothing except your own understanding.
"""

import jax, jax.numpy as jnp
import numpy as np

N = 4096
M = 4096
E = 64
B = 8192
D = 4096


def setup_inputs(seed: int = 0) -> dict:
    key = jax.random.key(seed)
    k1, k2 = jax.random.split(key)
    x = jax.random.normal(k1, (B, N, 1), dtype=jnp.float32)
    # Fixed sparse connectivity (same arithmetic-sequence pattern as init_kwargs)
    src = (jnp.arange(E) * 64).astype(jnp.int32)
    dst = (jnp.arange(E) * 63).astype(jnp.int32)
    indices = jnp.stack([src, dst], axis=0)
    # Kaiming-scaled sparse weight values (parameter)
    values = jax.random.normal(k2, (E,), dtype=jnp.float32) * (2.0 / D) ** 0.5
    # Bias parameter, shape (M, 1)
    bias = jnp.zeros((M, 1), dtype=jnp.float32)
    return {"x": x, "indices": indices, "values": values, "bias": bias}


def reference(x, indices, values, bias):
    Bn = x.shape[0]
    src = indices[0]
    dst = indices[1]
    offs = jnp.arange(Bn, dtype=indices.dtype)
    # Batched edge index: torch_geometric-style concatenated graphs with incremented node idx
    src_b = (src[None, :] + offs[:, None] * N).reshape(-1)
    dst_b = (dst[None, :] + offs[:, None] * M).reshape(-1)
    # edge_weight = values[edge_id] where edge_id = arange(E) repeated B times
    edge_weight = jnp.tile(values, Bn)
    x_flat = x.reshape(-1)
    # message: edge_weight * x_j  (gather on src)
    msg = edge_weight * jnp.take(x_flat, src_b, axis=0)
    # aggregate: scatter-add into (M * B) destination nodes
    out = jax.ops.segment_sum(msg, dst_b, num_segments=Bn * M)
    # bias = self.bias[bias_idx], bias_idx = arange(M) repeated B times
    bias_flat = jnp.tile(bias.reshape(-1), Bn)
    out = out + bias_flat
    return out.reshape(Bn, M, 1)

if __name__ == "__main__":
    import jax
    _d = setup_inputs()
    print(jax.jit(kernel)(*tuple(_d.values())))

</pallas_src>

<mosaic_0001>
#map = affine_map<(d0, d1) -> (0)>
module attributes {stable_mosaic.version = 14 : i64} {
  func.func @gather_k(%arg0: i32, %arg1: i32, %arg2: memref<33554432xf32, #tpu.memory_space<hbm>>, %arg3: memref<524288xi32, #tpu.memory_space<hbm>>, %arg4: memref<524288xf32, #tpu.memory_space<hbm>>, %arg5: memref<16384xi32, #tpu.memory_space<vmem>>, %arg6: memref<16384xf32, #tpu.memory_space<vmem>>, %arg7: memref<!tpu.dma_semaphore, #tpu.memory_space<semaphore_mem>>) attributes {dimension_semantics = [#tpu.dimension_semantics<core_parallel>, #tpu.dimension_semantics<subcore_parallel>], iteration_bounds = array<i64: 2, 16>, scalar_prefetch = 0 : i64, scratch_operands = 3 : i64, tpu.core_type = #tpu.core_type<sc_vector_subcore>, window_params = [{transform_indices = #map}, {transform_indices = #map}, {transform_indices = #map}]} {
    %mul3A = arith.constant 2 : i32
    %mul3A_0 = arith.muli %arg1, %mul3A : i32
    %add3A = arith.addi %mul3A_0, %arg0 : i32
    %mul3A_1 = arith.constant 16384 : i32
    %mul3A_2 = arith.muli %add3A, %mul3A_1 : i32
    %multiple_of3A = tpu.assume_multiple %mul3A_2, 8 : i32
    "tpu.region"() ({
      %run_scoped3A = tpu.sem_alloc : memref<!tpu.dma_semaphore, #tpu.memory_space<semaphore_mem>>
      %dma_start3A_5 = tpu.memref_slice %arg3[%multiple_of3A] : memref<524288xi32, #tpu.memory_space<hbm>> -> memref<16384xi32, #tpu.memory_space<hbm>>
      %dma_start3A_6 = tpu.memref_slice %arg3[%multiple_of3A] : memref<524288xi32, #tpu.memory_space<hbm>> -> memref<16384xi32, #tpu.memory_space<hbm>>
      tpu.enqueue_dma source(%dma_start3A_6 : memref<16384xi32, #tpu.memory_space<hbm>>) target(%arg5 : memref<16384xi32, #tpu.memory_space<vmem>>) target_semaphore(%run_scoped3A : memref<!tpu.dma_semaphore, #tpu.memory_space<semaphore_mem>>)
      %dma_wait3A_7 = tpu.memref_slice %arg3[%multiple_of3A] : memref<524288xi32, #tpu.memory_space<hbm>> -> memref<16384xi32, #tpu.memory_space<hbm>>
      %dma_wait3A_8 = tpu.memref_slice %arg3[%multiple_of3A] : memref<524288xi32, #tpu.memory_space<hbm>> -> memref<16384xi32, #tpu.memory_space<hbm>>
      tpu.wait_dma2 semaphore(%run_scoped3A : memref<!tpu.dma_semaphore, #tpu.memory_space<semaphore_mem>>) src(%dma_wait3A_8 : memref<16384xi32, #tpu.memory_space<hbm>>) dst(%arg5 : memref<16384xi32, #tpu.memory_space<vmem>>)
      tpu.yield
    }) : () -> ()
    %dma_start3A = arith.constant 0 : i32
    %dma_start3A_3 = tpu.memref_slice %arg2[%dma_start3A] : memref<33554432xf32, #tpu.memory_space<hbm>> -> memref<33554432xf32, #tpu.memory_space<hbm>>
    tpu.enqueue_indirect_dma source(%dma_start3A_3 : memref<33554432xf32, #tpu.memory_space<hbm>>) target(%arg6 : memref<16384xf32, #tpu.memory_space<vmem>>) offsets(%arg5 : memref<16384xi32, #tpu.memory_space<vmem>>) semaphore(%arg7 : memref<!tpu.dma_semaphore, #tpu.memory_space<semaphore_mem>>)
    %dma_wait3A = arith.constant 0 : i32
    %dma_wait3A_4 = tpu.memref_slice %arg2[%dma_wait3A] : memref<33554432xf32, #tpu.memory_space<hbm>> -> memref<33554432xf32, #tpu.memory_space<hbm>>
    tpu.wait_indirect_dma semaphore(%arg7 : memref<!tpu.dma_semaphore, #tpu.memory_space<semaphore_mem>>) src(%dma_wait3A_4 : memref<33554432xf32, #tpu.memory_space<hbm>>) dst(%arg6 : memref<16384xf32, #tpu.memory_space<vmem>>)
    "tpu.region"() ({
      %run_scoped3A = tpu.sem_alloc : memref<!tpu.dma_semaphore, #tpu.memory_space<semaphore_mem>>
      %dma_start3A_5 = tpu.memref_slice %arg4[%multiple_of3A] : memref<524288xf32, #tpu.memory_space<hbm>> -> memref<16384xf32, #tpu.memory_space<hbm>>
      %dma_start3A_6 = tpu.memref_slice %arg4[%multiple_of3A] : memref<524288xf32, #tpu.memory_space<hbm>> -> memref<16384xf32, #tpu.memory_space<hbm>>
      tpu.enqueue_dma source(%arg6 : memref<16384xf32, #tpu.memory_space<vmem>>) target(%dma_start3A_6 : memref<16384xf32, #tpu.memory_space<hbm>>) target_semaphore(%run_scoped3A : memref<!tpu.dma_semaphore, #tpu.memory_space<semaphore_mem>>)
      %dma_wait3A_7 = tpu.memref_slice %arg4[%multiple_of3A] : memref<524288xf32, #tpu.memory_space<hbm>> -> memref<16384xf32, #tpu.memory_space<hbm>>
      %dma_wait3A_8 = tpu.memref_slice %arg4[%multiple_of3A] : memref<524288xf32, #tpu.memory_space<hbm>> -> memref<16384xf32, #tpu.memory_space<hbm>>
      tpu.wait_dma2 semaphore(%run_scoped3A : memref<!tpu.dma_semaphore, #tpu.memory_space<semaphore_mem>>) src(%arg6 : memref<16384xf32, #tpu.memory_space<vmem>>) dst(%dma_wait3A_8 : memref<16384xf32, #tpu.memory_space<hbm>>)
      tpu.yield
    }) : () -> ()
    return
  }
}

module attributes {stable_mosaic.version = 14 : i64} {
  func.func @_tile_body(%arg0: i32, %arg1: memref<1x128xi32, #tpu.memory_space<vmem>>, %arg2: memref<128x1xi32, #tpu.memory_space<vmem>>, %arg3: memref<128x1xf32, #tpu.memory_space<vmem>>, %arg4: memref<32x128xf32, #tpu.memory_space<vmem>>, %arg5: memref<128x128xf32, #tpu.memory_space<vmem>>, %arg6: memref<8192x128xf32, #tpu.memory_space<vmem>>) attributes {dimension_semantics = [#tpu.dimension_semantics<arbitrary>], iteration_bounds = array<i64: 32>, scalar_prefetch = 0 : i64, scratch_operands = 0 : i64, tpu.core_type = #tpu.core_type<tc>, window_params = [{pipeline_mode = #tpu.pipeline_mode<synchronous>, transform_indices = @transform_0, window_bounds = array<i64: 1, 128>}, {pipeline_mode = #tpu.pipeline_mode<synchronous>, transform_indices = @transform_1, window_bounds = array<i64: 128, 1>}, {pipeline_mode = #tpu.pipeline_mode<synchronous>, transform_indices = @transform_2, window_bounds = array<i64: 128, 1>}, {pipeline_mode = #tpu.pipeline_mode<synchronous>, transform_indices = @transform_3, window_bounds = array<i64: 32, 128>}, {transform_indices = @transform_4, window_bounds = array<i64: 128, 128>}, {transform_indices = @transform_5, window_bounds = array<i64: 8192, 128>}]} {
    %get3A = arith.constant 0 : index
    %get3A_0 = arith.constant 0 : index
    %get3A_1 = vector.load %arg1[%get3A, %get3A_0] : memref<1x128xi32, #tpu.memory_space<vmem>>, vector<1x128xi32>
    %get3A_2 = arith.constant 0 : index
    %get3A_3 = arith.constant 0 : index
    %get3A_4 = vector.load %arg2[%get3A_2, %get3A_3] : memref<128x1xi32, #tpu.memory_space<vmem>>, vector<128x1xi32>
    %get3A_5 = arith.constant 0 : index
    %get3A_6 = arith.constant 0 : index
    %get3A_7 = vector.load %arg3[%get3A_5, %get3A_6] : memref<128x1xf32, #tpu.memory_space<vmem>>, vector<128x1xf32>
    %iota3A = tpu.iota {dimensions = array<i32: 1>} : vector<128x128xi32>
    %jit3A = arith.constant 128 : i32
    %eq3A = arith.constant 0 : i32
    %eq3A_8 = arith.cmpi eq, %jit3A, %eq3A : i32
    %jit3A_9 = arith.constant 1 : i32
    %select_n3A = arith.select %eq3A_8, %jit3A_9, %jit3A : i32
    %rem3A = vector.broadcast %select_n3A : i32 to vector<128x1xi32>
    %rem3A_10 = arith.remsi %get3A_4, %rem3A : vector<128x1xi32>
    %ne3A = arith.constant 0 : i32
    %ne3A_11 = vector.broadcast %ne3A : i32 to vector<128x1xi32>
    %ne3A_12 = arith.cmpi ne, %rem3A_10, %ne3A_11 : vector<128x1xi32>
    %lt3A = arith.constant 0 : i32
    %lt3A_13 = vector.broadcast %lt3A : i32 to vector<128x1xi32>
    %lt3A_14 = arith.cmpi slt, %rem3A_10, %lt3A_13 : vector<128x1xi32>
    %lt3A_15 = arith.constant 0 : i32
    %lt3A_16 = arith.cmpi slt, %select_n3A, %lt3A_15 : i32
    %ne3A_17 = vector.broadcast %lt3A_16 : i1 to vector<128x1xi1>
    %ne3A_18 = vector.broadcast %ne3A_17 : vector<128x1xi1> to vector<128x1xi1>
    %ne3A_19 = arith.xori %lt3A_14, %ne3A_18 : vector<128x1xi1>
    %and3A = arith.andi %ne3A_19, %ne3A_12 : vector<128x1xi1>
    %add3A = vector.broadcast %select_n3A : i32 to vector<128x1xi32>
    %add3A_20 = arith.addi %rem3A_10, %add3A : vector<128x1xi32>
    %select_n3A_21 = arith.select %and3A, %add3A_20, %rem3A_10 : vector<128x1xi1>, vector<128x1xi32>
    %eq3A_22 = vector.broadcast %select_n3A_21 : vector<128x1xi32> to vector<128x128xi32>
    %eq3A_23 = arith.cmpi eq, %iota3A, %eq3A_22 : vector<128x128xi32>
    %jit3A_24 = arith.constant 0.000000e+00 : f32
    %broadcast_in_dim3A = vector.shape_cast %get3A_7 : vector<128x1xf32> to vector<128x1xf32>
    %broadcast_in_dim3A_25 = vector.broadcast %broadcast_in_dim3A : vector<128x1xf32> to vector<128x128xf32>
    %broadcast_in_dim3A_26 = vector.broadcast %jit3A_24 : f32 to vector<128x128xf32>
    %select_n3A_27 = arith.select %eq3A_23, %broadcast_in_dim3A_25, %broadcast_in_dim3A_26 : vector<128x128xi1>, vector<128x128xf32>
    %iota3A_28 = tpu.iota {dimensions = array<i32: 0>} : vector<64x128xi32>
    %iota3A_29 = tpu.iota {dimensions = array<i32: 1>} : vector<64x128xi32>
    %jit3A_30 = arith.constant 64 : i32
    %div3A = vector.broadcast %jit3A_30 : i32 to vector<64x128xi32>
    %div3A_31 = arith.divsi %iota3A_29, %div3A : vector<64x128xi32>
    %sign3A = arith.constant 0 : i32
    %sign3A_32 = vector.broadcast %sign3A : i32 to vector<64x128xi32>
    %sign3A_33 = arith.cmpi sgt, %iota3A_29, %sign3A_32 : vector<64x128xi32>
    %sign3A_34 = arith.extui %sign3A_33 : vector<64x128xi1> to vector<64x128xi32>
    %sign3A_35 = arith.constant 0 : i32
    %sign3A_36 = vector.broadcast %sign3A_35 : i32 to vector<64x128xi32>
    %sign3A_37 = arith.cmpi slt, %iota3A_29, %sign3A_36 : vector<64x128xi32>
    %sign3A_38 = arith.extui %sign3A_37 : vector<64x128xi1> to vector<64x128xi32>
    %sign3A_39 = arith.subi %sign3A_34, %sign3A_38 : vector<64x128xi32>
    %sign3A_40 = arith.constant 0 : i32
    %sign3A_41 = arith.cmpi sgt, %jit3A_30, %sign3A_40 : i32
    %sign3A_42 = arith.extui %sign3A_41 : i1 to i32
    %sign3A_43 = arith.constant 0 : i32
    %sign3A_44 = arith.cmpi slt, %jit3A_30, %sign3A_43 : i32
    %sign3A_45 = arith.extui %sign3A_44 : i1 to i32
    %sign3A_46 = arith.subi %sign3A_42, %sign3A_45 : i32
    %ne3A_47 = vector.broadcast %sign3A_46 : i32 to vector<64x128xi32>
    %ne3A_48 = arith.cmpi ne, %sign3A_39, %ne3A_47 : vector<64x128xi32>
    %rem3A_49 = vector.broadcast %jit3A_30 : i32 to vector<64x128xi32>
    %rem3A_50 = arith.remsi %iota3A_29, %rem3A_49 : vector<64x128xi32>
    %ne3A_51 = arith.constant 0 : i32
    %ne3A_52 = vector.broadcast %ne3A_51 : i32 to vector<64x128xi32>
    %ne3A_53 = arith.cmpi ne, %rem3A_50, %ne3A_52 : vector<64x128xi32>
    %and3A_54 = arith.andi %ne3A_48, %ne3A_53 : vector<64x128xi1>
    %sub3A = arith.constant 1 : i32
    %sub3A_55 = vector.broadcast %sub3A : i32 to vector<64x128xi32>
    %sub3A_56 = arith.subi %div3A_31, %sub3A_55 : vector<64x128xi32>
    %select_n3A_57 = arith.select %and3A_54, %sub3A_56, %div3A_31 : vector<64x128xi1>, vector<64x128xi32>
    %jit3A_58 = arith.constant 32 : i32
    %div3A_59 = vector.broadcast %jit3A_58 : i32 to vector<64x128xi32>
    %div3A_60 = arith.divsi %iota3A_28, %div3A_59 : vector<64x128xi32>
    %sign3A_61 = arith.constant 0 : i32
    %sign3A_62 = vector.broadcast %sign3A_61 : i32 to vector<64x128xi32>
    %sign3A_63 = arith.cmpi sgt, %iota3A_28, %sign3A_62 : vector<64x128xi32>
    %sign3A_64 = arith.extui %sign3A_63 : vector<64x128xi1> to vector<64x128xi32>
    %sign3A_65 = arith.constant 0 : i32
    %sign3A_66 = vector.broadcast %sign3A_65 : i32 to vector<64x128xi32>
    %sign3A_67 = arith.cmpi slt, %iota3A_28, %sign3A_66 : vector<64x128xi32>
    %sign3A_68 = arith.extui %sign3A_67 : vector<64x128xi1> to vector<64x128xi32>
    %sign3A_69 = arith.subi %sign3A_64, %sign3A_68 : vector<64x128xi32>
    %sign3A_70 = arith.constant 0 : i32
    %sign3A_71 = arith.cmpi sgt, %jit3A_58, %sign3A_70 : i32
    %sign3A_72 = arith.extui %sign3A_71 : i1 to i32
    %sign3A_73 = arith.constant 0 : i32
    %sign3A_74 = arith.cmpi slt, %jit3A_58, %sign3A_73 : i32
    %sign3A_75 = arith.extui %sign3A_74 : i1 to i32
    %sign3A_76 = arith.subi %sign3A_72, %sign3A_75 : i32
    %ne3A_77 = vector.broadcast %sign3A_76 : i32 to vector<64x128xi32>
    %ne3A_78 = arith.cmpi ne, %sign3A_69, %ne3A_77 : vector<64x128xi32>
    %rem3A_79 = vector.broadcast %jit3A_58 : i32 to vector<64x128xi32>
    %rem3A_80 = arith.remsi %iota3A_28, %rem3A_79 : vector<64x128xi32>
    %ne3A_81 = arith.constant 0 : i32
    %ne3A_82 = vector.broadcast %ne3A_81 : i32 to vector<64x128xi32>
    %ne3A_83 = arith.cmpi ne, %rem3A_80, %ne3A_82 : vector<64x128xi32>
    %and3A_84 = arith.andi %ne3A_78, %ne3A_83 : vector<64x128xi1>
    %sub3A_85 = arith.constant 1 : i32
    %sub3A_86 = vector.broadcast %sub3A_85 : i32 to vector<64x128xi32>
    %sub3A_87 = arith.subi %div3A_60, %sub3A_86 : vector<64x128xi32>
    %select_n3A_88 = arith.select %and3A_84, %sub3A_87, %div3A_60 : vector<64x128xi1>, vector<64x128xi32>
    %eq3A_89 = arith.cmpi eq, %select_n3A_57, %select_n3A_88 : vector<64x128xi32>
    %jit3A_90 = arith.constant 128 : i32
    %div3A_91 = vector.broadcast %jit3A_90 : i32 to vector<1x128xi32>
    %div3A_92 = arith.divsi %get3A_1, %div3A_91 : vector<1x128xi32>
    %sign3A_93 = arith.constant 0 : i32
    %sign3A_94 = vector.broadcast %sign3A_93 : i32 to vector<1x128xi32>
    %sign3A_95 = arith.cmpi sgt, %get3A_1, %sign3A_94 : vector<1x128xi32>
    %sign3A_96 = arith.extui %sign3A_95 : vector<1x128xi1> to vector<1x128xi32>
    %sign3A_97 = arith.constant 0 : i32
    %sign3A_98 = vector.broadcast %sign3A_97 : i32 to vector<1x128xi32>
    %sign3A_99 = arith.cmpi slt, %get3A_1, %sign3A_98 : vector<1x128xi32>
    %sign3A_100 = arith.extui %sign3A_99 : vector<1x128xi1> to vector<1x128xi32>
    %sign3A_101 = arith.subi %sign3A_96, %sign3A_100 : vector<1x128xi32>
    %sign3A_102 = arith.constant 0 : i32
    %sign3A_103 = arith.cmpi sgt, %jit3A_90, %sign3A_102 : i32
    %sign3A_104 = arith.extui %sign3A_103 : i1 to i32
    %sign3A_105 = arith.constant 0 : i32
    %sign3A_106 = arith.cmpi slt, %jit3A_90, %sign3A_105 : i32
    %sign3A_107 = arith.extui %sign3A_106 : i1 to i32
    %sign3A_108 = arith.subi %sign3A_104, %sign3A_107 : i32
    %ne3A_109 = vector.broadcast %sign3A_108 : i32 to vector<1x128xi32>
    %ne3A_110 = arith.cmpi ne, %sign3A_101, %ne3A_109 : vector<1x128xi32>
    %rem3A_111 = vector.broadcast %jit3A_90 : i32 to vector<1x128xi32>
    %rem3A_112 = arith.remsi %get3A_1, %rem3A_111 : vector<1x128xi32>
    %ne3A_113 = arith.constant 0 : i32
    %ne3A_114 = vector.broadcast %ne3A_113 : i32 to vector<1x128xi32>
    %ne3A_115 = arith.cmpi ne, %rem3A_112, %ne3A_114 : vector<1x128xi32>
    %and3A_116 = arith.andi %ne3A_110, %ne3A_115 : vector<1x128xi1>
    %sub3A_117 = arith.constant 1 : i32
    %sub3A_118 = vector.broadcast %sub3A_117 : i32 to vector<1x128xi32>
    %sub3A_119 = arith.subi %div3A_92, %sub3A_118 : vector<1x128xi32>
    %select_n3A_120 = arith.select %and3A_116, %sub3A_119, %div3A_92 : vector<1x128xi1>, vector<1x128xi32>
    %jit3A_121 = arith.constant 32 : i32
    %eq3A_122 = arith.constant 0 : i32
    %eq3A_123 = arith.cmpi eq, %jit3A_121, %eq3A_122 : i32
    %jit3A_124 = arith.constant 1 : i32
    %select_n3A_125 = arith.select %eq3A_123, %jit3A_124, %jit3A_121 : i32
    %rem3A_126 = vector.broadcast %select_n3A_125 : i32 to vector<64x128xi32>
    %rem3A_127 = arith.remsi %iota3A_28, %rem3A_126 : vector<64x128xi32>
    %ne3A_128 = arith.constant 0 : i32
    %ne3A_129 = vector.broadcast %ne3A_128 : i32 to vector<64x128xi32>
    %ne3A_130 = arith.cmpi ne, %rem3A_127, %ne3A_129 : vector<64x128xi32>
    %lt3A_131 = arith.constant 0 : i32
    %lt3A_132 = vector.broadcast %lt3A_131 : i32 to vector<64x128xi32>
    %lt3A_133 = arith.cmpi slt, %rem3A_127, %lt3A_132 : vector<64x128xi32>
    %lt3A_134 = arith.constant 0 : i32
    %lt3A_135 = arith.cmpi slt, %select_n3A_125, %lt3A_134 : i32
    %ne3A_136 = vector.broadcast %lt3A_135 : i1 to vector<64x128xi1>
    %ne3A_137 = vector.broadcast %ne3A_136 : vector<64x128xi1> to vector<64x128xi1>
    %ne3A_138 = arith.xori %lt3A_133, %ne3A_137 : vector<64x128xi1>
    %and3A_139 = arith.andi %ne3A_138, %ne3A_130 : vector<64x128xi1>
    %add3A_140 = vector.broadcast %select_n3A_125 : i32 to vector<64x128xi32>
    %add3A_141 = arith.addi %rem3A_127, %add3A_140 : vector<64x128xi32>
    %select_n3A_142 = arith.select %and3A_139, %add3A_141, %rem3A_127 : vector<64x128xi1>, vector<64x128xi32>
    %eq3A_143 = vector.broadcast %select_n3A_120 : vector<1x128xi32> to vector<64x128xi32>
    %eq3A_144 = arith.cmpi eq, %eq3A_143, %select_n3A_142 : vector<64x128xi32>
    %and3A_145 = arith.andi %eq3A_89, %eq3A_144 : vector<64x128xi1>
    %convert_element_type3A = arith.extui %and3A_145 : vector<64x128xi1> to vector<64x128xi32>
    %convert_element_type3A_146 = arith.sitofp %convert_element_type3A : vector<64x128xi32> to vector<64x128xf32>
    %get3A_147 = arith.constant 0 : index
    %get3A_148 = arith.constant 0 : index
    %get3A_149 = vector.load %arg5[%get3A_147, %get3A_148] : memref<128x128xf32, #tpu.memory_space<vmem>>, vector<128x128xf32>
    %broadcast_in_dim3A_150 = vector.shape_cast %get3A_149 : vector<128x128xf32> to vector<128x1x128xf32>
    %broadcast_in_dim3A_151 = vector.shape_cast %convert_element_type3A_146 : vector<64x128xf32> to vector<1x64x128xf32>
    %mul3A = vector.broadcast %broadcast_in_dim3A_150 : vector<128x1x128xf32> to vector<128x64x128xf32>
    %mul3A_152 = vector.broadcast %broadcast_in_dim3A_151 : vector<1x64x128xf32> to vector<128x64x128xf32>
    %mul3A_153 = arith.mulf %mul3A, %mul3A_152 : vector<128x64x128xf32>
    %reshape3A = vector.shape_cast %mul3A_153 : vector<128x64x128xf32> to vector<8192x128xf32>
    %dot_general3A = arith.constant dense<0.000000e+00> : vector<8192x128xf32>
    %dot_general3A_154 = tpu.matmul %reshape3A, %select_n3A_27, %dot_general3A {dimension_numbers = #tpu.dot_dimension_numbers<[1], [0], [0], [1], [0, 0, 1, 1], [], []>, transpose_lhs_hint = false} : vector<8192x128xf32>, vector<128x128xf32>, vector<8192x128xf32> -> vector<8192x128xf32>
    %get3A_155 = arith.constant 0 : index
    %get3A_156 = arith.constant 0 : index
    %get3A_157 = vector.load %arg4[%get3A_155, %get3A_156] : memref<32x128xf32, #tpu.memory_space<vmem>>, vector<32x128xf32>
    %get3A_158 = arith.constant 0 : index
    %get3A_159 = arith.constant 0 : index
    %get3A_160 = vector.load %arg4[%get3A_158, %get3A_159] : memref<32x128xf32, #tpu.memory_space<vmem>>, vector<32x128xf32>
    %concatenate3A = tpu.concatenate %get3A_157, %get3A_160 in 0 : vector<32x128xf32>, vector<32x128xf32> -> vector<64x128xf32>
    %broadcast_in_dim3A_161 = vector.shape_cast %concatenate3A : vector<64x128xf32> to vector<1x64x128xf32>
    %broadcast_in_dim3A_162 = vector.shape_cast %broadcast_in_dim3A_161 : vector<1x64x128xf32> to vector<1x64x128xf32>
    %broadcast_in_dim3A_163 = vector.broadcast %broadcast_in_dim3A_162 : vector<1x64x128xf32> to vector<128x64x128xf32>
    %reshape3A_164 = vector.shape_cast %broadcast_in_dim3A_163 : vector<128x64x128xf32> to vector<8192x128xf32>
    %add3A_165 = arith.addf %dot_general3A_154, %reshape3A_164 : vector<8192x128xf32>
    %swap3A = arith.constant 0 : index
    %swap3A_166 = arith.constant 0 : index
    %swap3A_167 = vector.load %arg6[%swap3A, %swap3A_166] : memref<8192x128xf32, #tpu.memory_space<vmem>>, vector<8192x128xf32>
    tpu.vector_store %arg6[%swap3A, %swap3A_166], %add3A_165 {strides = array<i32>} : memref<8192x128xf32, #tpu.memory_space<vmem>>, vector<8192x128xf32>,
    return
  }
  func.func @transform_0(%arg0: i32) -> (i32, i32) {
    %c0_i32 = arith.constant 0 : i32
    %c0_i32_0 = arith.constant 0 : i32
    %c0_i32_1 = arith.constant 0 : i32
    return %c0_i32, %c0_i32_0 : i32, i32
  }
  func.func @transform_1(%arg0: i32) -> (i32, i32) {
    %c0_i32 = arith.constant 0 : i32
    %c0_i32_0 = arith.constant 0 : i32
    %c0_i32_1 = arith.constant 0 : i32
    return %c0_i32, %c0_i32_0 : i32, i32
  }
  func.func @transform_2(%arg0: i32) -> (i32, i32) {
    %c0_i32 = arith.constant 0 : i32
    %c0_i32_0 = arith.constant 0 : i32
    %c0_i32_1 = arith.constant 0 : i32
    return %c0_i32, %c0_i32_0 : i32, i32
  }
  func.func @transform_3(%arg0: i32) -> (i32, i32) {
    %c0_i32 = arith.constant 0 : i32
    %c0_i32_0 = arith.constant 0 : i32
    %c0_i32_1 = arith.constant 0 : i32
    return %c0_i32, %c0_i32_0 : i32, i32
  }
  func.func @transform_4(%arg0: i32) -> (i32, i32) {
    %c0_i32 = arith.constant 0 : i32
    %c0_i32_0 = arith.constant 0 : i32
    return %arg0, %c0_i32 : i32, i32
  }
  func.func @transform_5(%arg0: i32) -> (i32, i32) {
    %c0_i32 = arith.constant 0 : i32
    %c0_i32_0 = arith.constant 0 : i32
    return %arg0, %c0_i32 : i32, i32
  }
}

</mosaic_0001>

<sc_bundles>
// kernel: kernel.4.cloned.1.call-start
scs
__scs_entry_jumppad:
0x0: {  	(pc) =	sbr.rel $0x88, $3  }
0x1: {  	(tag) =	ssettag $0x0;
	lr =	simm.s32 $0x1  }
0x2: {  	[smem:$0x3F9D] =	sst lr;
	_ =	strace $0xD0000000  }
0x3: {  	_ = 	snop  }
0x4: {  	_ = 	snop  }
0x5: {  	_ = 	snop  }
0x6: {  	_ = 	snop  }
0x7: {  	_ = 	snop  }
__scs_overlays_trampoline_lowered:
0x8: {  	[smem:$0x3FAC] =	sst s0  }
0x9: {  	[smem:$0x3FAD] =	sst s1  }
0xa: {  	[smem:$0x3FAE] =	sst s2  }
0xb: {  	[smem:$0x3FAF] =	sst s3  }
0xc: {  	[smem:$0x3FB0] =	sst s4  }
0xd: {  	[smem:$0x3FB1] =	sst s5  }
0xe: {  	[smem:$0x3FB2] =	sst s6  }
0xf: {  	[smem:$0x3FB3] =	sst s7  }
0x10: {  	[smem:$0x3FB4] =	sst s8  }
0x11: {  	[smem:$0x3FB5] =	sst s9;
	s0 =	simm.s32 @!p0 $0x0  }
0x12: {  	s1 =	sld [smem:$0x3F9B];
	s0 =	simm.s32 @p0 $0x1  }
0x13: {  	[smem:$0x3FB6] =	sst s0;
	s0 =	simm.s32 @!p1 $0x0  }
0x14: {  	s2 =	sld [smem:$0x3F9A];
	s0 =	simm.s32 @p1 $0x1  }
0x15: {  	[smem:$0x3FB7] =	sst s0;
	s0 =	simm.s32 @!p2 $0x0  }
0x16: {  	s3 =	sld [smem:$0x3FDB];
	s0 =	simm.s32 @p2 $0x1  }
0x17: {  	s4 =	simm.s32 $0x1BF5;
	[smem:$0x3FB9] =	sst s0  }
0x18: {  	s0 =	sld [smem:$0x3F9C];
	_ =	swait.ge [sflag:s4], $0x0  }
0x19: {  	s7 =	sld [smem:$0x3F9D]  }
0x1a: {  	s8 =	sadd.s32 $0xFFFFE003, lr  }
0x1b: {  	s9 =	sadd.s32 $0xFFFFFEF7, lr;
	s5 =	simm.s32 $0xFFFFFFFF;
	p2 =	slt.u32 s8, $0xFFFFF086  }
0x1c: {  	p1 =	slt.u32 s9, $0xF7A;
	s5 =	simm.s32 @!p2 $0x0  }
0x1d: {  	s5 =	simm.s32 @p1 $0x1;
	p0 =	seq.s32 s7, s2  }
0x1e: {  	s7 =	smul.u32 @!p0 $0xF7A, s2;
	p2 =	seq.s32 @!p0 s5, $0x0  }
0x1f: {  	s9 =	smul.u32 $0xF7A, s1;
	s8 =	simm.s32 @!p0 $0x1BF5;
	p2 =	por !p2, p0  }
0x20: {  	[sflag:s8] =	ssyncset.s32 @!p0 $0xFFFFF086;
	s6 =	sadd.s32 @!p0 s3, s7;
	s7 =	simm.s32 @!p0 $0x108  }
0x21: {  	s3 =	sadd.s32 s3, s9;
	s6 =	sadd.s32 @!p0 $0x88, s6;
	s7 =	simm.s32 @p2 $0x1082  }
0x22: {  	[simem:s7], [sflag:s8] =	dma.local @!p0 [hbm:s6], $0xF7A  }
0x23: {  	s9 =	sor.u32 $0xD0000000, s2;
	s6 =	simm.s32 $0x108;
	_ =	swait.ge @!p0 [sflag:s8], $0x0  }
0x24: {  	s3 =	sadd.s32 $0x88, s3;
	s6 =	simm.s32 @!p1 $0x1082;
	[sflag:s4] =	ssyncset.s32 $0xFFFFF086  }
0x25: {  	[simem:s6], [sflag:s4] =	dma.local [hbm:s3], $0xF7A  }
0x26: {  	[smem:$0x3F9D] =	sst s1;
	(tag) =	ssettag s2;
	_ =	strace s9  }
0x27: {  	s1 =	sld [smem:$0x3FAD]  }
0x28: {  	s2 =	sld [smem:$0x3FAE]  }
0x29: {  	s4 =	sld [smem:$0x3FB0]  }
0x2a: {  	p0 =	seq.s32 s5, $0x0;
	s5 =	sld [smem:$0x3FB1]  }
0x2b: {  	s6 =	sld [smem:$0x3FB2]  }
0x2c: {  	s7 =	sld [smem:$0x3FB3]  }
0x2d: {  	s3 =	simm.s32 $0x108;
	s8 =	sld [smem:$0x3FB4]  }
0x2e: {  	s3 =	simm.s32 @!p0 $0x1082;
	s9 =	sld [smem:$0x3FB5]  }
0x2f: {  	lr =	sadd.s32 s0, s3;
	s0 =	sld [smem:$0x3FAC]  }
0x30: {  	s3 =	sld [smem:$0x3FAF]  }
0x31: {  	[smem:$0x3FB8] =	sst s10  }
0x32: {  	s10 =	sld [smem:$0x3FB6];
	_ =	sdelay $0x3  }
0x33: {  	p0 =	seq.s32 s10, $0x1;
	s10 =	sld [smem:$0x3FB8];
	_ =	sdelay $0x3  }
0x34: {  	[smem:$0x3FB8] =	sst s10  }
0x35: {  	s10 =	sld [smem:$0x3FB7];
	_ =	sdelay $0x3  }
0x36: {  	p1 =	seq.s32 s10, $0x1;
	s10 =	sld [smem:$0x3FB8];
	_ =	sdelay $0x3  }
0x37: {  	[smem:$0x3FB8] =	sst s10  }
0x38: {  	s10 =	sld [smem:$0x3FB9]  }
0x39: {  	_ = 	snop;
	(pc) =	sbr.ind lr, $3  }
0x3a: {  	_ = 	snop  }
0x3b: {  	_ = 	snop  }
0x3c: {  	p2 =	seq.s32 s10, $0x1;
	s10 =	sld [smem:$0x3FB8]  }
0x3d: {  	_ =	shalt  }
0x3e: {  	_ =	shalt  }
0x3f: {  	_ =	shalt  }
0x40: {  	_ =	shalt  }
0x41: {  	_ =	shalt  }
0x42: {  	_ =	shalt  }
0x43: {  	_ =	shalt  }
0x44: {  	_ =	shalt  }
0x45: {  	_ =	shalt  }
0x46: {  	_ =	shalt  }
0x47: {  	_ =	shalt  }
0x48: {  	_ =	shalt  }
0x49: {  	_ =	shalt  }
0x4a: {  	_ =	shalt  }
0x4b: {  	_ =	shalt  }
0x4c: {  	_ =	shalt  }
0x4d: {  	_ =	shalt  }
0x4e: {  	_ =	shalt  }
0x4f: {  	_ =	shalt  }
0x50: {  	_ =	shalt  }
0x51: {  	_ =	shalt  }
0x52: {  	_ =	shalt  }
0x53: {  	_ =	shalt  }
0x54: {  	_ =	shalt  }
0x55: {  	_ =	shalt  }
0x56: {  	_ =	shalt  }
0x57: {  	_ =	shalt  }
0x58: {  	_ =	shalt  }
0x59: {  	_ =	shalt  }
0x5a: {  	_ =	shalt  }
0x5b: {  	_ =	shalt  }
0x5c: {  	_ =	shalt  }
0x5d: {  	_ =	shalt  }
0x5e: {  	_ =	shalt  }
0x5f: {  	_ =	shalt  }
0x60: {  	_ =	shalt  }
0x61: {  	_ =	shalt  }
0x62: {  	_ =	shalt  }
0x63: {  	_ =	shalt  }
0x64: {  	_ =	shalt  }
0x65: {  	_ =	shalt  }
0x66: {  	_ =	shalt  }
0x67: {  	_ =	shalt  }
0x68: {  	_ =	shalt  }
0x69: {  	_ =	shalt  }
0x6a: {  	_ =	shalt  }
0x6b: {  	_ =	shalt  }
0x6c: {  	_ =	shalt  }
0x6d: {  	_ =	shalt  }
0x6e: {  	_ =	shalt  }
0x6f: {  	_ =	shalt  }
0x70: {  	_ =	shalt  }
0x71: {  	_ =	shalt  }
0x72: {  	_ =	shalt  }
0x73: {  	_ =	shalt  }
0x74: {  	_ =	shalt  }
0x75: {  	_ =	shalt  }
0x76: {  	_ =	shalt  }
0x77: {  	_ =	shalt  }
0x78: {  	_ =	shalt  }
0x79: {  	_ =	shalt  }
0x7a: {  	_ =	shalt  }
0x7b: {  	_ =	shalt  }
0x7c: {  	_ =	shalt  }
0x7d: {  	_ =	shalt  }
0x7e: {  	_ =	shalt  }
0x7f: {  	_ =	shalt  }
0x80: {  	_ =	shalt  }
0x81: {  	_ =	shalt  }
0x82: {  	_ =	shalt  }
0x83: {  	_ =	shalt  }
0x84: {  	_ =	shalt  }
0x85: {  	_ =	shalt  }
0x86: {  	_ =	shalt  }
0x87: {  	_ =	shalt  }
.Lfunc_end0:
.L_simem_size_0:
called_computation_lowered:
.L_overlay_start_0:
0x88: {  	s2 =	sld [smem:$0x3FD9]  }
0x89: {  	s3 =	sld [smem:$0x3FFE];
	_ =	sdelay $0x1  }
0x8a: {  	s1 =	srdreg.scid  }
0x8b: {  	s0 =	sand.u32 $0x1, s1  }
0x8c: {  	s17 =	sshll.u32 s0, $0xA;
	s2 =	sadd.s32 s3, s2  }
0x8d: {  	s2 =	sadd.s32 s2, s17  }
0x8e: {  	[smem:$0x3FC4] =	sst s2  }
0x8f: {  	_ = 	snop  }
0x90: {  	s2 =	sld [smem:$0x3FC9]  }
0x91: {  	s18 =	sld [smem:$0x3FD0];
	(tm) =	ssettm $0x1  }
0x92: {  	s4 =	sld [smem:$0x3FFB];
	_ =	sdelay $0x3  }
0x93: {  	_ =	strace s4  }
0x94: {  	s4 =	sld [smem:$0x3FFC];
	_ =	sdelay $0x3  }
0x95: {  	_ =	strace s4  }
0x96: {  	s4 =	sld [smem:$0x3FFD];
	_ =	sdelay $0x3  }
0x97: {  	_ =	strace s4  }
0x98: {  	_ =	strace $0x8FFFFFFF  }
0x99: {  	s19 =	sld [smem:$0x3FDB];
	_ =	sdelay $0x1  }
0x9a: {  	s5 =	simm.s32 $_scs_section_size  }
0x9b: {  	s6 =	simm.s32 $_size__tile_overlayer_lowered;
	s7 =	simm.s32 $_tile_overlayer_lowered  }
0x9c: {  	s22 =	simm.s32 $0x1BFF;
	s21 =	sshll.u32 s7, $0x1;
	s4 =	sadd.s32 s5, s19  }
0x9d: {  	s8 =	simm.s32 $0x0;
	s20 =	sshll.u32 s6, $0x1;
	s6 =	sadd.s32 s21, s4  }
0x9e: {  	[timem:s8], [sflag:s22] =	dma.local [hbm:s6], s20  }
0x9f: {  	_ =	swait.ge [sflag:s22], s20  }
0xa0: {  	s5 =	ssub.s32 $0x0, s20;
	[sflag:s22] =	ssyncset.done $0x0  }
0xa1: {  	[sflag:s22] =	ssyncadd.s32 s5;
	_ =	sdelay $0x1  }
0xa2: {  	s23 =	simm.s32 $0x1B8B  }
0xa3: {  	_ =	swait.ge [sflag:s23], $0x1  }
0xa4: {  	[sflag:s23] =	ssyncset.done $0x0  }
0xa5: {  	s25 =	simm.s32 $0x1B8E;
	s24 =	sld [smem:$0x3FFE];
	[sflag:s23] =	ssyncadd.s32 $0xFFFFFFFF  }
0xa6: {  	s26 =	simm.s32 $execute0_lowered;
	[smem:$0x3FD2] =	sst s25  }
0xa7: {  	s6 =	sshll.u32 s26, $0x1;
	_ =	strace $0x80000046;
	[dreg:$0x1] =	wrdreg $0xFFFFFFFF  }
0xa8: {  	s28 =	simm.s32 $_size_execute0_lowered;
	s4 =	sadd.s32 s4, s6;
	[dreg:$0x0] =	wrdreg $0x0  }
0xa9: {  	s6 =	sshll.u32 s28, $0x1;
	[dreg:$0x2] =	wrdreg s4  }
0xaa: {  	[dreg:$0x3] =	wrdreg s6  }
0xab: {  	[dreg:$0x4] =	wrdreg $0xC0  }
0xac: {  	_ =	task [dreg:s8], $0x5FFFF  }
0xad: {  	[dreg:$0x1] =	wrdreg $0xFFFFFFFF  }
0xae: {  	[dreg:$0x0] =	wrdreg $0x60  }
0xaf: {  	[dreg:$0x2] =	wrdreg s2  }
0xb0: {  	[dreg:$0x3] =	wrdreg s18  }
0xb1: {  	[dreg:$0x4] =	wrdreg s24  }
0xb2: {  	[dreg:$0x5] =	wrdreg $0x9  }
0xb3: {  	_ =	task.clear_ibuf [dreg:s8], $0x6FFFF;
	_ =	strace $0x90000046  }
0xb4: {  	s29 =	simm.s32 $0x9;
	_ =	strace $0x80000048  }
0xb5: {  	_ =	swait.ge [sflag:s29], $0x1  }
0xb6: {  	[sflag:s29] =	ssyncadd.s32 $0xFFFFFFFF  }
0xb7: {  	_ =	strace $0x90000048  }
0xb8: {  	_ =	sfence  }
0xb9: {  	s30 =	sld [smem:$0x0];
	_ =	sdelay $0x2  }
0xba: {  	s31 =	sshll.u32 s1, $0xD;
	s1 =	sshrl.u32 s1, $0x2  }
0xbb: {  	s3 =	sand.u32 $0x4000, s31;
	s1 =	sadd.s32 s1, s30  }
0xbc: {  	s0 =	sor.u32 s3, s0;
	s1 =	sshll.u32 s1, $0x11  }
0xbd: {  	s0 =	sor.u32 s1, s0  }
0xbe: {  	s0 =	sadd.s32 $0x8F2B, s0  }
0xbf: {  	[sflag:s0] =	ssyncadd.remote.s32 $0x1  }
0xc0: {  	_ =	sfence.sel $0xFFFF  }
0xc1: {  	[dreg:$0x0] =	wrdreg $0xFFFFFFFF;
	(pc) =	sbr.abs _section_cstart, $3  }
0xc2: {  	[dreg:$0x1] =	wrdreg $0xFFFFFFFF  }
0xc3: {  	_ =	task.clear_ibuf [dreg:s8], $0x2FFFF;
	_ =	strace $0x9FFFFFFF  }
0xc4: {  	(tm) =	ssettm $0x7FFFFFFF  }
0xc5: {  	_ =	shalt  }
tec
execute0_lowered:
.L_overlay_start_1:
0x0: {  	(tag) =	ssettag $0x1  }
0x1: {  	s2 =	rddreg [dreg:$0x0]  }
0x2: {  	s4 =	rddreg [dreg:$0x1]  }
0x3: {  	s8 =	rddreg [dreg:$0x2];
	s3 =	srdreg.scid  }
0x4: {  	s0 =	rddreg [dreg:$0x3];
	s1 =	stileid.u32;
	s6 =	sand.u32 $0x1, s3  }
0x5: {  	s3 =	simm.s32 $0x0;
	s5 =	sshll.u32 s1, $0xC;
	s7 =	sshll.u32 s6, $0xB  }
0x6: {  	[smem:$0x7FF] =	sst s3;
	s10 =	ssub.s32 $0x2, s6;
	s9 =	sor.u32 s7, s5  }
0x7: {  	_ =	strace $0x80000047;
	s5 =	sadd.s32 s4, s9;
	s4 =	simm.s32 $0x2  }
0x8: {  	[tilespmem:s3], [sflag:$0x2] =	stream.linear.gather [hbm4b:s5+s3], $0x4000, $0x38;
	[tilespmem:$0x8000] =	vst v63  }
0x9: {  	s6 =	simm.s32 $0x4000;
	s11 =	sshrl.u32 s10, $0x1;
	_ =	swait.ge [sflag:s4], $0x4000  }
0xa: {  	s7 =	simm.s32 $0x1;
	s31 =	ssub.s32 s10, s11;
	[sflag:s4] =	ssyncset.done $0x0  }
0xb: {  	s8 =	sadd.s32 s9, s8;
	s9 =	smax.u32 s31, $0x1;
	[sflag:s4] =	ssyncadd.s32 $0xFFFFC000  }
0xc: {  	[tilespmem:s6], [sflag:$0x1] =	stream.indirect.gather [hbm4b:s2+s6], $0x1, s3, s6, $0xb8;
	[tilespmem:$0x8000] =	vst v63  }
0xd: {  	p0 =	sne.s32 s9, $0x1;
	_ =	swait.ge [sflag:s7], $0x4000  }
.Ltmp0:
0xe: {  	[sflag:s7] =	ssyncset.done $0x0;
	(pc) =	sbr.rel @!p0 .LBB2_2-.Ltmp0, $4  }
0xf: {  	s8 =	sadd.s32 $0xE00, s8;
	[sflag:s7] =	ssyncadd.s32 $0xFFFFC000  }
0x10: {  	[hbm4b:s8+s3] =	stream.linear.scatter [tilespmem:s6], [sflag:$0x2], $0x4000, $0x38;
	[tilespmem:$0x8000] =	vst v63  }
0x11: {  	_ =	swait.ge [sflag:s4], $0x4000  }
0x12: {  	s9 =	sadd.s32 $0xFFFFFFFF, s9;
	[sflag:s4] =	ssyncset.done $0x0  }
.LBB2_1:
0x13: {  	p0 =	sne.s32 s9, $0x1;
	s9 =	sadd.s32 $0xFFFFFFFF, s9;
	[sflag:s4] =	ssyncadd.s32 $0xFFFFC000  }
0x14: {  	[tilespmem:s3], [sflag:$0x2] =	stream.linear.gather [hbm4b:s5+s3], $0x4000, $0x38;
	[tilespmem:$0x8000] =	vst v63  }
0x15: {  	_ =	swait.ge [sflag:s4], $0x4000  }
0x16: {  	[sflag:s4] =	ssyncset.done $0x0  }
0x17: {  	[sflag:s4] =	ssyncadd.s32 $0xFFFFC000  }
0x18: {  	[tilespmem:s6], [sflag:$0x1] =	stream.indirect.gather [hbm4b:s2+s6], $0x1, s3, s6, $0xb8;
	[tilespmem:$0x8000] =	vst v63  }
0x19: {  	_ =	swait.ge [sflag:s7], $0x4000  }
.Ltmp1:
0x1a: {  	[sflag:s7] =	ssyncset.done $0x0;
	(pc) =	sbr.rel @p0 .LBB2_1-.Ltmp1, $4  }
0x1b: {  	[sflag:s7] =	ssyncadd.s32 $0xFFFFC000  }
0x1c: {  	[hbm4b:s8+s3] =	stream.linear.scatter [tilespmem:s6], [sflag:$0x2], $0x4000, $0x38;
	[tilespmem:$0x8000] =	vst v63  }
0x1d: {  	_ =	swait.ge [sflag:s4], $0x4000  }
0x1e: {  	[sflag:s4] =	ssyncset.done $0x0  }
.LBB2_2:
0x1f: {  	[sflag:s4] =	ssyncadd.s32 $0xFFFFC000  }
0x20: {  	_ =	sfence.sel $0x180000  }
0x21: {  	[bflag:$0x0] =	sbarrier.arrive $0xFFFF  }
0x22: {  	p0 =	sne.s32 s1, $0x0;
	_ =	strace $0x90000047  }
0x23: {  	s0 =	sadd.s32 @!p0 $0x100000, s0;
	[bflag:$0x2] =	sbarrier.arrive $0xFFFF  }
0x24: {  	[sflag:s0] =	ssyncadd.tile.s32 @!p0 $0x1;
	_ =	shalt  }
.Lfunc_end2:
_tile_overlayer_lowered:
.L_overlay_start_2:
0x25: {  	(tag) =	ssettag $0x2  }
0x26: {  	s0 =	rddreg [dreg:$0x0];
	s2 =	stileid.u32  }
0x27: {  	s1 =	rddreg [dreg:$0x1];
	p0 =	sne.s32 s2, $0x0  }
0x28: {  	s3 =	rddreg [dreg:$0x2];
	[bflag:$0x3] =	sbarrier.arrive $0xFFFF;
	s2 =	simm.s32 @!p0 $0x1C02  }
0x29: {  	[timem:s3], [sflag:s2] =	dma.local @!p0 [hbm:s0], s1  }
0x2a: {  	s0 =	simm.s32 @!p0 $0x2  }
0x2b: {  	_ =	swait.ge @!p0 [sflag:s0], s1  }
0x2c: {  	s1 =	ssub.s32 @!p0 $0x0, s1;
	[sflag:s0] =	ssyncset.done @!p0 $0x0  }
0x2d: {  	[sflag:s0] =	ssyncadd.s32 @!p0 s1  }
0x2e: {  	[bflag:$0x3] =	sbarrier.arrive $0xFFFF  }
0x2f: {  	_ =	shalt  }

</sc_bundles>
